<compile_context>
chip_gen: v7x
topology: tpu7x:2x2x1
jax: 0.10.2.dev20260603
libtpu: 0.0.44.dev20260713+nightly
codegen_flags: <defaults>
</compile_context>

<pallas_src>
import functools

import jax
import jax.numpy as jnp
from jax import lax
from jax.experimental import pallas as pl
from jax.experimental.pallas import tpu as pltpu
from jax.experimental.pallas import tpu_sc as plsc

_NC = 2
_NS = 16
_CHUNK = 128
_NBUF = 2
_GROUP = 8
_C0_FRAC = 0.95


def _sc_aggregate(n_pad, c0, c1, x, srcp, dstp, zeros):
    d = x.shape[1]
    rows_pt = n_pad // _NS
    mesh = plsc.VectorSubcoreMesh(core_axis_name="c", subcore_axis_name="s")

    @functools.partial(
        pl.kernel,
        out_type=(
            jax.ShapeDtypeStruct((n_pad, d), jnp.float32),
            jax.ShapeDtypeStruct((n_pad, d), jnp.float32),
        ),
        mesh=mesh,
        scratch_types=[
            pltpu.VMEM((_GROUP, _CHUNK), jnp.int32),
            pltpu.VMEM((_GROUP, _CHUNK), jnp.int32),
            [pltpu.VMEM((_CHUNK, d), jnp.float32)] * _NBUF,
            pltpu.VMEM_SHARED((n_pad, d), jnp.float32),
            [pltpu.SemaphoreType.DMA] * _NBUF,
        ],
    )
    def agg(x_hbm, src_hbm, dst_hbm, zero_hbm, out0, out1,
            src_i, dst_i, rows, acc, sems):
        core = lax.axis_index("c")
        sub = lax.axis_index("s")
        rbase = sub * rows_pt
        cpw = jnp.where(core == 0, c0, c1)
        tbase = jnp.where(core == 0, sub * c0, _NS * c0 + sub * c1)

        pltpu.sync_copy(zero_hbm.at[pl.ds(rbase, rows_pt)],
                        acc.at[pl.ds(rbase, rows_pt)])
        plsc.subcore_barrier()

        def group_body(gr, carry):
            cbase = tbase + gr * _GROUP
            pltpu.sync_copy(src_hbm.at[pl.ds(cbase, _GROUP)], src_i)
            pltpu.sync_copy(dst_hbm.at[pl.ds(cbase, _GROUP)], dst_i)

            for b in range(_NBUF):
                pltpu.async_copy(x_hbm.at[src_i.at[b]], rows[b], sems[b])

            def body(jo, c2):
                for b in range(_NBUF):
                    j = jo * _NBUF + b
                    pltpu.make_async_copy(
                        x_hbm.at[src_i.at[j]], rows[b], sems[b]).wait()
                    pltpu.sync_copy(rows[b], acc.at[dst_i.at[j]], add=True)

                    @pl.when(j + _NBUF < _GROUP)
                    def _():
                        pltpu.async_copy(
                            x_hbm.at[src_i.at[j + _NBUF]], rows[b], sems[b])

                return c2

            lax.fori_loop(0, _GROUP // _NBUF, body, None)
            return carry

        lax.fori_loop(0, cpw // _GROUP, group_body, None)
        plsc.subcore_barrier()

        @pl.when(core == 0)
        def _():
            pltpu.sync_copy(acc.at[pl.ds(rbase, rows_pt)],
                            out0.at[pl.ds(rbase, rows_pt)])

        @pl.when(core == 1)
        def _():
            pltpu.sync_copy(acc.at[pl.ds(rbase, rows_pt)],
                            out1.at[pl.ds(rbase, rows_pt)])

    return agg(x, srcp, dstp, zeros)


def _tc_matmul(p0, p1, w, b, n):
    d_in, d_out = w.shape
    blk = 400
    grid = n // blk

    def mm(p0_ref, p1_ref, w_ref, b_ref, o_ref):
        a = p0_ref[...] + p1_ref[...]
        o_ref[...] = (
            jnp.dot(a, w_ref[...], preferred_element_type=jnp.float32)
            + b_ref[...]
        )

    return pl.pallas_call(
        mm,
        grid=(grid,),
        in_specs=[
            pl.BlockSpec((blk, d_in), lambda i: (i, 0)),
            pl.BlockSpec((blk, d_in), lambda i: (i, 0)),
            pl.BlockSpec((d_in, d_out), lambda i: (0, 0)),
            pl.BlockSpec((1, d_out), lambda i: (0, 0)),
        ],
        out_specs=pl.BlockSpec((blk, d_out), lambda i: (i, 0)),
        out_shape=jax.ShapeDtypeStruct((n, d_out), jnp.float32),
    )(p0, p1, w, b)


def kernel(x, edge_index, W, b):
    n, d = x.shape
    e = edge_index.shape[1]

    tpt = -(-e // (_NS * _CHUNK))
    c0 = max(_GROUP, int(round(tpt * _C0_FRAC / _GROUP)) * _GROUP)
    c1 = max(0, -(-(tpt - c0) // _GROUP) * _GROUP)
    ep = _NS * (c0 + c1) * _CHUNK
    rows_pt = -(-(n + 1) // _NS)
    rows_pt = -(-rows_pt // 8) * 8
    n_pad = rows_pt * _NS

    src = edge_index[0]
    dst = edge_index[1]
    pad = ep - e
    srcp = jnp.concatenate([src, jnp.zeros((pad,), jnp.int32)])
    dstp = jnp.concatenate([dst, jnp.full((pad,), n, jnp.int32)])
    srcp = srcp.reshape(ep // _CHUNK, _CHUNK)
    dstp = dstp.reshape(ep // _CHUNK, _CHUNK)
    zeros = jnp.zeros((n_pad, d), jnp.float32)

    p0, p1 = _sc_aggregate(n_pad, c0, c1, x, srcp, dstp, zeros)
    return _tc_matmul(p0, p1, W, b, n)

# --- scband reference (transcript-rebuilt; emitter-appended) ---
"""Pipeline reference for scband-graph-convolution-4020089389620 (READ-ONLY COPY).

The authoritative reference and input builder live on the scoring server;
editing this copy changes nothing except your own understanding.
"""

import jax, jax.numpy as jnp
import numpy as np

N = 10000
E = 320000
D_IN = 128
D_OUT = 128


def setup_inputs(seed: int = 0) -> dict:
    key = jax.random.key(seed)
    k1, k2, k3 = jax.random.split(key, 3)
    x = jax.random.normal(k1, (N, D_IN), dtype=jnp.float32)
    edge_index = jax.random.randint(k2, (2, E), 0, N, dtype=jnp.int32)
    # xavier_uniform init for weight, zeros for bias (matches torch init)
    limit = float(np.sqrt(6.0 / (D_IN + D_OUT)))
    W = jax.random.uniform(k3, (D_IN, D_OUT), dtype=jnp.float32, minval=-limit, maxval=limit)
    b = jnp.zeros((1, D_OUT), dtype=jnp.float32)
    return {"x": x, "edge_index": edge_index, "W": W, "b": b}


def reference(x, edge_index, W, b):
    # in_features == out_features -> else-branch of the torch forward:
    #   embs = pushEmbs(input)           (identity in single-device semantics)
    #   output = spmm(adj, embs)         (sparse aggregation over edges)
    #   output = mm(output, W)
    #   output = output + bias
    src = edge_index[0]
    dst = edge_index[1]
    agg = jnp.zeros((N, x.shape[1]), dtype=x.dtype).at[dst].add(x[src])
    out = agg @ W + b
    return out

if __name__ == "__main__":
    import jax
    _d = setup_inputs()
    print(jax.jit(kernel)(*tuple(_d.values())))

</pallas_src>

<mosaic_0001>
#map = affine_map<(d0, d1) -> (0, 0)>
module attributes {stable_mosaic.version = 14 : i64} {
  func.func @agg(%arg0: i32, %arg1: i32, %arg2: memref<10000x128xf32, #tpu.memory_space<hbm>>, %arg3: memref<2560x128xi32, #tpu.memory_space<hbm>>, %arg4: memref<2560x128xi32, #tpu.memory_space<hbm>>, %arg5: memref<10112x128xf32, #tpu.memory_space<hbm>>, %arg6: memref<10112x128xf32, #tpu.memory_space<hbm>>, %arg7: memref<10112x128xf32, #tpu.memory_space<hbm>>, %arg8: memref<8x128xi32, #tpu.memory_space<vmem>>, %arg9: memref<8x128xi32, #tpu.memory_space<vmem>>, %arg10: memref<128x128xf32, #tpu.memory_space<vmem>>, %arg11: memref<128x128xf32, #tpu.memory_space<vmem>>, %arg12: memref<10112x128xf32, #tpu.memory_space<vmem_shared>>, %arg13: memref<!tpu.dma_semaphore, #tpu.memory_space<semaphore_mem>>, %arg14: memref<!tpu.dma_semaphore, #tpu.memory_space<semaphore_mem>>) attributes {dimension_semantics = [#tpu.dimension_semantics<core_parallel>, #tpu.dimension_semantics<subcore_parallel>], iteration_bounds = array<i64: 2, 16>, scalar_prefetch = 0 : i64, scratch_operands = 7 : i64, tpu.core_type = #tpu.core_type<sc_vector_subcore>, window_params = [{transform_indices = #map}, {transform_indices = #map}, {transform_indices = #map}, {transform_indices = #map}, {transform_indices = #map}, {transform_indices = #map}]} {
    %mul3A = arith.constant 632 : i32
    %mul3A_0 = arith.muli %arg1, %mul3A : i32
    %eq3A = arith.constant 0 : i32
    %eq3A_1 = arith.cmpi eq, %arg0, %eq3A : i32
    %jit3A = arith.constant 152 : i32
    %jit3A_2 = arith.constant 8 : i32
    %select_n3A = arith.select %eq3A_1, %jit3A, %jit3A_2 : i32
    %eq3A_3 = arith.constant 0 : i32
    %eq3A_4 = arith.cmpi eq, %arg0, %eq3A_3 : i32
    %mul3A_5 = arith.constant 152 : i32
    %mul3A_6 = arith.muli %arg1, %mul3A_5 : i32
    %mul3A_7 = arith.constant 8 : i32
    %mul3A_8 = arith.muli %arg1, %mul3A_7 : i32
    %add3A = arith.constant 2432 : i32
    %add3A_9 = arith.addi %add3A, %mul3A_8 : i32
    %select_n3A_10 = arith.select %eq3A_4, %mul3A_6, %add3A_9 : i32
    "tpu.region"() ({
      %run_scoped3A = tpu.sem_alloc : memref<!tpu.dma_semaphore, #tpu.memory_space<semaphore_mem>>
      %dma_start3A = arith.constant 0 : i32
      %dma_start3A_46 = tpu.memref_slice %arg12[%mul3A_0, %dma_start3A] : memref<10112x128xf32, #tpu.memory_space<vmem_shared>> -> memref<632x128xf32, #tpu.memory_space<vmem_shared>>
      %dma_start3A_47 = arith.constant 0 : i32
      %dma_start3A_48 = tpu.memref_slice %arg5[%mul3A_0, %dma_start3A_47] : memref<10112x128xf32, #tpu.memory_space<hbm>> -> memref<632x128xf32, #tpu.memory_space<hbm>>
      tpu.enqueue_dma source(%dma_start3A_48 : memref<632x128xf32, #tpu.memory_space<hbm>>) target(%dma_start3A_46 : memref<632x128xf32, #tpu.memory_space<vmem_shared>>) target_semaphore(%run_scoped3A : memref<!tpu.dma_semaphore, #tpu.memory_space<semaphore_mem>>)
      %dma_wait3A = arith.constant 0 : i32
      %dma_wait3A_49 = tpu.memref_slice %arg12[%mul3A_0, %dma_wait3A] : memref<10112x128xf32, #tpu.memory_space<vmem_shared>> -> memref<632x128xf32, #tpu.memory_space<vmem_shared>>
      %dma_wait3A_50 = arith.constant 0 : i32
      %dma_wait3A_51 = tpu.memref_slice %arg5[%mul3A_0, %dma_wait3A_50] : memref<10112x128xf32, #tpu.memory_space<hbm>> -> memref<632x128xf32, #tpu.memory_space<hbm>>
      tpu.wait_dma2 semaphore(%run_scoped3A : memref<!tpu.dma_semaphore, #tpu.memory_space<semaphore_mem>>) src(%dma_wait3A_51 : memref<632x128xf32, #tpu.memory_space<hbm>>) dst(%dma_wait3A_49 : memref<632x128xf32, #tpu.memory_space<vmem_shared>>)
      tpu.yield
    }) : () -> ()
    %barrier3A = arith.constant 0 : index
    tpu.barrier barrier_id(%barrier3A)
    %jit3A_11 = arith.constant 8 : i32
    %div3A = arith.divsi %select_n3A, %jit3A_11 : i32
    %sign3A = arith.constant 0 : i32
    %sign3A_12 = arith.cmpi sgt, %select_n3A, %sign3A : i32
    %sign3A_13 = arith.extui %sign3A_12 : i1 to i32
    %sign3A_14 = arith.constant 0 : i32
    %sign3A_15 = arith.cmpi slt, %select_n3A, %sign3A_14 : i32
    %sign3A_16 = arith.extui %sign3A_15 : i1 to i32
    %sign3A_17 = arith.subi %sign3A_13, %sign3A_16 : i32
    %sign3A_18 = arith.constant 0 : i32
    %sign3A_19 = arith.cmpi sgt, %jit3A_11, %sign3A_18 : i32
    %sign3A_20 = arith.extui %sign3A_19 : i1 to i32
    %sign3A_21 = arith.constant 0 : i32
    %sign3A_22 = arith.cmpi slt, %jit3A_11, %sign3A_21 : i32
    %sign3A_23 = arith.extui %sign3A_22 : i1 to i32
    %sign3A_24 = arith.subi %sign3A_20, %sign3A_23 : i32
    %ne3A = arith.cmpi ne, %sign3A_17, %sign3A_24 : i32
    %rem3A = arith.remsi %select_n3A, %jit3A_11 : i32
    %ne3A_25 = arith.constant 0 : i32
    %ne3A_26 = arith.cmpi ne, %rem3A, %ne3A_25 : i32
    %and3A = arith.andi %ne3A, %ne3A_26 : i1
    %sub3A = arith.constant 1 : i32
    %sub3A_27 = arith.subi %div3A, %sub3A : i32
    %select_n3A_28 = arith.select %and3A, %sub3A_27, %div3A : i32
    %while3A = arith.constant 0 : i32
    %while3A_29 = arith.subi %select_n3A_28, %while3A : i32
    %while3A_30 = arith.addi %while3A, %while3A_29 : i32
    %while3A_31 = arith.constant 1 : i32
    %while3A_32 = arith.divsi %while3A_29, %while3A_31 : i32
    %while3A_33 = arith.muli %while3A_32, %while3A_31 : i32
    %while3A_34 = arith.addi %while3A, %while3A_33 : i32
    %while3A_35 = arith.constant 1 : i32
    scf.for %while3A_46 = %while3A to %while3A_34 step %while3A_35  : i32 {
      %mul3A_47 = arith.constant 8 : i32
      %mul3A_48 = arith.muli %while3A_46, %mul3A_47 : i32
      %add3A_49 = arith.addi %select_n3A_10, %mul3A_48 : i32
      "tpu.region"() ({
        %run_scoped3A = tpu.sem_alloc : memref<!tpu.dma_semaphore, #tpu.memory_space<semaphore_mem>>
        %dma_start3A_67 = arith.constant 0 : i32
        %dma_start3A_68 = tpu.memref_slice %arg3[%add3A_49, %dma_start3A_67] : memref<2560x128xi32, #tpu.memory_space<hbm>> -> memref<8x128xi32, #tpu.memory_space<hbm>>
        %dma_start3A_69 = arith.constant 0 : i32
        %dma_start3A_70 = tpu.memref_slice %arg3[%add3A_49, %dma_start3A_69] : memref<2560x128xi32, #tpu.memory_space<hbm>> -> memref<8x128xi32, #tpu.memory_space<hbm>>
        tpu.enqueue_dma source(%dma_start3A_70 : memref<8x128xi32, #tpu.memory_space<hbm>>) target(%arg8 : memref<8x128xi32, #tpu.memory_space<vmem>>) target_semaphore(%run_scoped3A : memref<!tpu.dma_semaphore, #tpu.memory_space<semaphore_mem>>)
        %dma_wait3A = arith.constant 0 : i32
        %dma_wait3A_71 = tpu.memref_slice %arg3[%add3A_49, %dma_wait3A] : memref<2560x128xi32, #tpu.memory_space<hbm>> -> memref<8x128xi32, #tpu.memory_space<hbm>>
        %dma_wait3A_72 = arith.constant 0 : i32
        %dma_wait3A_73 = tpu.memref_slice %arg3[%add3A_49, %dma_wait3A_72] : memref<2560x128xi32, #tpu.memory_space<hbm>> -> memref<8x128xi32, #tpu.memory_space<hbm>>
        tpu.wait_dma2 semaphore(%run_scoped3A : memref<!tpu.dma_semaphore, #tpu.memory_space<semaphore_mem>>) src(%dma_wait3A_73 : memref<8x128xi32, #tpu.memory_space<hbm>>) dst(%arg8 : memref<8x128xi32, #tpu.memory_space<vmem>>)
        tpu.yield
      }) : () -> ()
      "tpu.region"() ({
        %run_scoped3A = tpu.sem_alloc : memref<!tpu.dma_semaphore, #tpu.memory_space<semaphore_mem>>
        %dma_start3A_67 = arith.constant 0 : i32
        %dma_start3A_68 = tpu.memref_slice %arg4[%add3A_49, %dma_start3A_67] : memref<2560x128xi32, #tpu.memory_space<hbm>> -> memref<8x128xi32, #tpu.memory_space<hbm>>
        %dma_start3A_69 = arith.constant 0 : i32
        %dma_start3A_70 = tpu.memref_slice %arg4[%add3A_49, %dma_start3A_69] : memref<2560x128xi32, #tpu.memory_space<hbm>> -> memref<8x128xi32, #tpu.memory_space<hbm>>
        tpu.enqueue_dma source(%dma_start3A_70 : memref<8x128xi32, #tpu.memory_space<hbm>>) target(%arg9 : memref<8x128xi32, #tpu.memory_space<vmem>>) target_semaphore(%run_scoped3A : memref<!tpu.dma_semaphore, #tpu.memory_space<semaphore_mem>>)
        %dma_wait3A = arith.constant 0 : i32
        %dma_wait3A_71 = tpu.memref_slice %arg4[%add3A_49, %dma_wait3A] : memref<2560x128xi32, #tpu.memory_space<hbm>> -> memref<8x128xi32, #tpu.memory_space<hbm>>
        %dma_wait3A_72 = arith.constant 0 : i32
        %dma_wait3A_73 = tpu.memref_slice %arg4[%add3A_49, %dma_wait3A_72] : memref<2560x128xi32, #tpu.memory_space<hbm>> -> memref<8x128xi32, #tpu.memory_space<hbm>>
        tpu.wait_dma2 semaphore(%run_scoped3A : memref<!tpu.dma_semaphore, #tpu.memory_space<semaphore_mem>>) src(%dma_wait3A_73 : memref<8x128xi32, #tpu.memory_space<hbm>>) dst(%arg9 : memref<8x128xi32, #tpu.memory_space<vmem>>)
        tpu.yield
      }) : () -> ()
      %dma_start3A = arith.constant 0 : i32
      %dma_start3A_50 = arith.constant 0 : i32
      %dma_start3A_51 = tpu.memref_slice %arg8[%dma_start3A, %dma_start3A_50] : memref<8x128xi32, #tpu.memory_space<vmem>> -> memref<1x128xi32, #tpu.memory_space<vmem>>
      %dma_start3A_52 = tpu.memref_squeeze %dma_start3A_51 : memref<1x128xi32, #tpu.memory_space<vmem>> -> memref<128xi32, #tpu.memory_space<vmem>>
      %dma_start3A_53 = arith.constant 0 : i32
      %dma_start3A_54 = arith.constant 0 : i32
      %dma_start3A_55 = tpu.memref_slice %arg2[%dma_start3A_53, %dma_start3A_54] : memref<10000x128xf32, #tpu.memory_space<hbm>> -> memref<10000x128xf32, #tpu.memory_space<hbm>>
      tpu.enqueue_indirect_dma source(%dma_start3A_55 : memref<10000x128xf32, #tpu.memory_space<hbm>>) target(%arg10 : memref<128x128xf32, #tpu.memory_space<vmem>>) offsets(%dma_start3A_52 : memref<128xi32, #tpu.memory_space<vmem>>) semaphore(%arg13 : memref<!tpu.dma_semaphore, #tpu.memory_space<semaphore_mem>>)
      %dma_start3A_56 = arith.constant 1 : i32
      %dma_start3A_57 = arith.constant 0 : i32
      %dma_start3A_58 = tpu.memref_slice %arg8[%dma_start3A_56, %dma_start3A_57] : memref<8x128xi32, #tpu.memory_space<vmem>> -> memref<1x128xi32, #tpu.memory_space<vmem>>
      %dma_start3A_59 = tpu.memref_squeeze %dma_start3A_58 : memref<1x128xi32, #tpu.memory_space<vmem>> -> memref<128xi32, #tpu.memory_space<vmem>>
      %dma_start3A_60 = arith.constant 0 : i32
      %dma_start3A_61 = arith.constant 0 : i32
      %dma_start3A_62 = tpu.memref_slice %arg2[%dma_start3A_60, %dma_start3A_61] : memref<10000x128xf32, #tpu.memory_space<hbm>> -> memref<10000x128xf32, #tpu.memory_space<hbm>>
      tpu.enqueue_indirect_dma source(%dma_start3A_62 : memref<10000x128xf32, #tpu.memory_space<hbm>>) target(%arg11 : memref<128x128xf32, #tpu.memory_space<vmem>>) offsets(%dma_start3A_59 : memref<128xi32, #tpu.memory_space<vmem>>) semaphore(%arg14 : memref<!tpu.dma_semaphore, #tpu.memory_space<semaphore_mem>>)
      %scan3A = arith.constant 0 : i32
      %scan3A_63 = arith.constant 4 : i32
      %scan3A_64 = arith.addi %scan3A, %scan3A_63 : i32
      %scan3A_65 = arith.constant 1 : i32
      scf.for %scan3A_67 = %scan3A to %scan3A_64 step %scan3A_65  : i32 {
        %mul3A_68 = arith.constant 2 : i32
        %mul3A_69 = arith.muli %scan3A_67, %mul3A_68 : i32
        %add3A_70 = arith.constant 0 : i32
        %add3A_71 = arith.addi %mul3A_69, %add3A_70 : i32
        %dma_wait3A = arith.constant 0 : i32
        %dma_wait3A_72 = tpu.memref_slice %arg8[%add3A_71, %dma_wait3A] : memref<8x128xi32, #tpu.memory_space<vmem>> -> memref<1x128xi32, #tpu.memory_space<vmem>>
        %dma_wait3A_73 = tpu.memref_squeeze %dma_wait3A_72 : memref<1x128xi32, #tpu.memory_space<vmem>> -> memref<128xi32, #tpu.memory_space<vmem>>
        %dma_wait3A_74 = arith.constant 0 : i32
        %dma_wait3A_75 = arith.constant 0 : i32
        %dma_wait3A_76 = tpu.memref_slice %arg2[%dma_wait3A_74, %dma_wait3A_75] : memref<10000x128xf32, #tpu.memory_space<hbm>> -> memref<10000x128xf32, #tpu.memory_space<hbm>>
        tpu.wait_indirect_dma semaphore(%arg13 : memref<!tpu.dma_semaphore, #tpu.memory_space<semaphore_mem>>) src(%dma_wait3A_76 : memref<10000x128xf32, #tpu.memory_space<hbm>>) dst(%arg10 : memref<128x128xf32, #tpu.memory_space<vmem>>)
        "tpu.region"() ({
          %run_scoped3A = tpu.sem_alloc : memref<!tpu.dma_semaphore, #tpu.memory_space<semaphore_mem>>
          %dma_start3A_100 = arith.constant 0 : i32
          %dma_start3A_101 = tpu.memref_slice %arg9[%add3A_71, %dma_start3A_100] : memref<8x128xi32, #tpu.memory_space<vmem>> -> memref<1x128xi32, #tpu.memory_space<vmem>>
          %dma_start3A_102 = tpu.memref_squeeze %dma_start3A_101 : memref<1x128xi32, #tpu.memory_space<vmem>> -> memref<128xi32, #tpu.memory_space<vmem>>
          %dma_start3A_103 = arith.constant 0 : i32
          %dma_start3A_104 = arith.constant 0 : i32
          %dma_start3A_105 = tpu.memref_slice %arg12[%dma_start3A_103, %dma_start3A_104] : memref<10112x128xf32, #tpu.memory_space<vmem_shared>> -> memref<10112x128xf32, #tpu.memory_space<vmem_shared>>
          tpu.enqueue_indirect_dma source(%arg10 : memref<128x128xf32, #tpu.memory_space<vmem>>) target(%dma_start3A_105 : memref<10112x128xf32, #tpu.memory_space<vmem_shared>>) offsets(%dma_start3A_102 : memref<128xi32, #tpu.memory_space<vmem>>) semaphore(%run_scoped3A : memref<!tpu.dma_semaphore, #tpu.memory_space<semaphore_mem>>) {add = true}
          %dma_wait3A_106 = arith.constant 0 : i32
          %dma_wait3A_107 = tpu.memref_slice %arg9[%add3A_71, %dma_wait3A_106] : memref<8x128xi32, #tpu.memory_space<vmem>> -> memref<1x128xi32, #tpu.memory_space<vmem>>
          %dma_wait3A_108 = tpu.memref_squeeze %dma_wait3A_107 : memref<1x128xi32, #tpu.memory_space<vmem>> -> memref<128xi32, #tpu.memory_space<vmem>>
          %dma_wait3A_109 = arith.constant 0 : i32
          %dma_wait3A_110 = arith.constant 0 : i32
          %dma_wait3A_111 = tpu.memref_slice %arg12[%dma_wait3A_109, %dma_wait3A_110] : memref<10112x128xf32, #tpu.memory_space<vmem_shared>> -> memref<10112x128xf32, #tpu.memory_space<vmem_shared>>
          tpu.wait_indirect_dma semaphore(%run_scoped3A : memref<!tpu.dma_semaphore, #tpu.memory_space<semaphore_mem>>) src(%arg10 : memref<128x128xf32, #tpu.memory_space<vmem>>) dst(%dma_wait3A_111 : memref<10112x128xf32, #tpu.memory_space<vmem_shared>>)
          tpu.yield
        }) : () -> ()
        %add3A_77 = arith.constant 2 : i32
        %add3A_78 = arith.addi %add3A_71, %add3A_77 : i32
        %lt3A = arith.constant 8 : i32
        %lt3A_79 = arith.cmpi slt, %add3A_78, %lt3A : i32
        %convert_element_type3A_80 = arith.extui %lt3A_79 : i1 to i32
        %cond3A_81 = arith.constant 0 : i32
        %cond3A_82 = arith.cmpi ne, %convert_element_type3A_80, %cond3A_81 : i32
        scf.if %cond3A_82 {
          %add3A_100 = arith.constant 2 : i32
          %add3A_101 = arith.addi %add3A_71, %add3A_100 : i32
          %dma_start3A_102 = arith.constant 0 : i32
          %dma_start3A_103 = tpu.memref_slice %arg8[%add3A_101, %dma_start3A_102] : memref<8x128xi32, #tpu.memory_space<vmem>> -> memref<1x128xi32, #tpu.memory_space<vmem>>
          %dma_start3A_104 = tpu.memref_squeeze %dma_start3A_103 : memref<1x128xi32, #tpu.memory_space<vmem>> -> memref<128xi32, #tpu.memory_space<vmem>>
          %dma_start3A_105 = arith.constant 0 : i32
          %dma_start3A_106 = arith.constant 0 : i32
          %dma_start3A_107 = tpu.memref_slice %arg2[%dma_start3A_105, %dma_start3A_106] : memref<10000x128xf32, #tpu.memory_space<hbm>> -> memref<10000x128xf32, #tpu.memory_space<hbm>>
          tpu.enqueue_indirect_dma source(%dma_start3A_107 : memref<10000x128xf32, #tpu.memory_space<hbm>>) target(%arg10 : memref<128x128xf32, #tpu.memory_space<vmem>>) offsets(%dma_start3A_104 : memref<128xi32, #tpu.memory_space<vmem>>) semaphore(%arg13 : memref<!tpu.dma_semaphore, #tpu.memory_space<semaphore_mem>>)
        } else {
        }
        %mul3A_83 = arith.constant 2 : i32
        %mul3A_84 = arith.muli %scan3A_67, %mul3A_83 : i32
        %add3A_85 = arith.constant 1 : i32
        %add3A_86 = arith.addi %mul3A_84, %add3A_85 : i32
        %dma_wait3A_87 = arith.constant 0 : i32
        %dma_wait3A_88 = tpu.memref_slice %arg8[%add3A_86, %dma_wait3A_87] : memref<8x128xi32, #tpu.memory_space<vmem>> -> memref<1x128xi32, #tpu.memory_space<vmem>>
        %dma_wait3A_89 = tpu.memref_squeeze %dma_wait3A_88 : memref<1x128xi32, #tpu.memory_space<vmem>> -> memref<128xi32, #tpu.memory_space<vmem>>
        %dma_wait3A_90 = arith.constant 0 : i32
        %dma_wait3A_91 = arith.constant 0 : i32
        %dma_wait3A_92 = tpu.memref_slice %arg2[%dma_wait3A_90, %dma_wait3A_91] : memref<10000x128xf32, #tpu.memory_space<hbm>> -> memref<10000x128xf32, #tpu.memory_space<hbm>>
        tpu.wait_indirect_dma semaphore(%arg14 : memref<!tpu.dma_semaphore, #tpu.memory_space<semaphore_mem>>) src(%dma_wait3A_92 : memref<10000x128xf32, #tpu.memory_space<hbm>>) dst(%arg11 : memref<128x128xf32, #tpu.memory_space<vmem>>)
        "tpu.region"() ({
          %run_scoped3A = tpu.sem_alloc : memref<!tpu.dma_semaphore, #tpu.memory_space<semaphore_mem>>
          %dma_start3A_100 = arith.constant 0 : i32
          %dma_start3A_101 = tpu.memref_slice %arg9[%add3A_86, %dma_start3A_100] : memref<8x128xi32, #tpu.memory_space<vmem>> -> memref<1x128xi32, #tpu.memory_space<vmem>>
          %dma_start3A_102 = tpu.memref_squeeze %dma_start3A_101 : memref<1x128xi32, #tpu.memory_space<vmem>> -> memref<128xi32, #tpu.memory_space<vmem>>
          %dma_start3A_103 = arith.constant 0 : i32
          %dma_start3A_104 = arith.constant 0 : i32
          %dma_start3A_105 = tpu.memref_slice %arg12[%dma_start3A_103, %dma_start3A_104] : memref<10112x128xf32, #tpu.memory_space<vmem_shared>> -> memref<10112x128xf32, #tpu.memory_space<vmem_shared>>
          tpu.enqueue_indirect_dma source(%arg11 : memref<128x128xf32, #tpu.memory_space<vmem>>) target(%dma_start3A_105 : memref<10112x128xf32, #tpu.memory_space<vmem_shared>>) offsets(%dma_start3A_102 : memref<128xi32, #tpu.memory_space<vmem>>) semaphore(%run_scoped3A : memref<!tpu.dma_semaphore, #tpu.memory_space<semaphore_mem>>) {add = true}
          %dma_wait3A_106 = arith.constant 0 : i32
          %dma_wait3A_107 = tpu.memref_slice %arg9[%add3A_86, %dma_wait3A_106] : memref<8x128xi32, #tpu.memory_space<vmem>> -> memref<1x128xi32, #tpu.memory_space<vmem>>
          %dma_wait3A_108 = tpu.memref_squeeze %dma_wait3A_107 : memref<1x128xi32, #tpu.memory_space<vmem>> -> memref<128xi32, #tpu.memory_space<vmem>>
          %dma_wait3A_109 = arith.constant 0 : i32
          %dma_wait3A_110 = arith.constant 0 : i32
          %dma_wait3A_111 = tpu.memref_slice %arg12[%dma_wait3A_109, %dma_wait3A_110] : memref<10112x128xf32, #tpu.memory_space<vmem_shared>> -> memref<10112x128xf32, #tpu.memory_space<vmem_shared>>
          tpu.wait_indirect_dma semaphore(%run_scoped3A : memref<!tpu.dma_semaphore, #tpu.memory_space<semaphore_mem>>) src(%arg11 : memref<128x128xf32, #tpu.memory_space<vmem>>) dst(%dma_wait3A_111 : memref<10112x128xf32, #tpu.memory_space<vmem_shared>>)
          tpu.yield
        }) : () -> ()
        %add3A_93 = arith.constant 2 : i32
        %add3A_94 = arith.addi %add3A_86, %add3A_93 : i32
        %lt3A_95 = arith.constant 8 : i32
        %lt3A_96 = arith.cmpi slt, %add3A_94, %lt3A_95 : i32
        %convert_element_type3A_97 = arith.extui %lt3A_96 : i1 to i32
        %cond3A_98 = arith.constant 0 : i32
        %cond3A_99 = arith.cmpi ne, %convert_element_type3A_97, %cond3A_98 : i32
        scf.if %cond3A_99 {
          %add3A_100 = arith.constant 2 : i32
          %add3A_101 = arith.addi %add3A_86, %add3A_100 : i32
          %dma_start3A_102 = arith.constant 0 : i32
          %dma_start3A_103 = tpu.memref_slice %arg8[%add3A_101, %dma_start3A_102] : memref<8x128xi32, #tpu.memory_space<vmem>> -> memref<1x128xi32, #tpu.memory_space<vmem>>
          %dma_start3A_104 = tpu.memref_squeeze %dma_start3A_103 : memref<1x128xi32, #tpu.memory_space<vmem>> -> memref<128xi32, #tpu.memory_space<vmem>>
          %dma_start3A_105 = arith.constant 0 : i32
          %dma_start3A_106 = arith.constant 0 : i32
          %dma_start3A_107 = tpu.memref_slice %arg2[%dma_start3A_105, %dma_start3A_106] : memref<10000x128xf32, #tpu.memory_space<hbm>> -> memref<10000x128xf32, #tpu.memory_space<hbm>>
          tpu.enqueue_indirect_dma source(%dma_start3A_107 : memref<10000x128xf32, #tpu.memory_space<hbm>>) target(%arg11 : memref<128x128xf32, #tpu.memory_space<vmem>>) offsets(%dma_start3A_104 : memref<128xi32, #tpu.memory_space<vmem>>) semaphore(%arg14 : memref<!tpu.dma_semaphore, #tpu.memory_space<semaphore_mem>>)
        } else {
        }
      }
      %scan3A_66 = arith.constant 4 : i32
    }
    %while3A_36 = arith.constant 1 : i32
    scf.for %while3A_46 = %while3A_34 to %while3A_30 step %while3A_36  : i32 {
      %mul3A_47 = arith.constant 8 : i32
      %mul3A_48 = arith.muli %while3A_46, %mul3A_47 : i32
      %add3A_49 = arith.addi %select_n3A_10, %mul3A_48 : i32
      "tpu.region"() ({
        %run_scoped3A = tpu.sem_alloc : memref<!tpu.dma_semaphore, #tpu.memory_space<semaphore_mem>>
        %dma_start3A_67 = arith.constant 0 : i32
        %dma_start3A_68 = tpu.memref_slice %arg3[%add3A_49, %dma_start3A_67] : memref<2560x128xi32, #tpu.memory_space<hbm>> -> memref<8x128xi32, #tpu.memory_space<hbm>>
        %dma_start3A_69 = arith.constant 0 : i32
        %dma_start3A_70 = tpu.memref_slice %arg3[%add3A_49, %dma_start3A_69] : memref<2560x128xi32, #tpu.memory_space<hbm>> -> memref<8x128xi32, #tpu.memory_space<hbm>>
        tpu.enqueue_dma source(%dma_start3A_70 : memref<8x128xi32, #tpu.memory_space<hbm>>) target(%arg8 : memref<8x128xi32, #tpu.memory_space<vmem>>) target_semaphore(%run_scoped3A : memref<!tpu.dma_semaphore, #tpu.memory_space<semaphore_mem>>)
        %dma_wait3A = arith.constant 0 : i32
        %dma_wait3A_71 = tpu.memref_slice %arg3[%add3A_49, %dma_wait3A] : memref<2560x128xi32, #tpu.memory_space<hbm>> -> memref<8x128xi32, #tpu.memory_space<hbm>>
        %dma_wait3A_72 = arith.constant 0 : i32
        %dma_wait3A_73 = tpu.memref_slice %arg3[%add3A_49, %dma_wait3A_72] : memref<2560x128xi32, #tpu.memory_space<hbm>> -> memref<8x128xi32, #tpu.memory_space<hbm>>
        tpu.wait_dma2 semaphore(%run_scoped3A : memref<!tpu.dma_semaphore, #tpu.memory_space<semaphore_mem>>) src(%dma_wait3A_73 : memref<8x128xi32, #tpu.memory_space<hbm>>) dst(%arg8 : memref<8x128xi32, #tpu.memory_space<vmem>>)
        tpu.yield
      }) : () -> ()
      "tpu.region"() ({
        %run_scoped3A = tpu.sem_alloc : memref<!tpu.dma_semaphore, #tpu.memory_space<semaphore_mem>>
        %dma_start3A_67 = arith.constant 0 : i32
        %dma_start3A_68 = tpu.memref_slice %arg4[%add3A_49, %dma_start3A_67] : memref<2560x128xi32, #tpu.memory_space<hbm>> -> memref<8x128xi32, #tpu.memory_space<hbm>>
        %dma_start3A_69 = arith.constant 0 : i32
        %dma_start3A_70 = tpu.memref_slice %arg4[%add3A_49, %dma_start3A_69] : memref<2560x128xi32, #tpu.memory_space<hbm>> -> memref<8x128xi32, #tpu.memory_space<hbm>>
        tpu.enqueue_dma source(%dma_start3A_70 : memref<8x128xi32, #tpu.memory_space<hbm>>) target(%arg9 : memref<8x128xi32, #tpu.memory_space<vmem>>) target_semaphore(%run_scoped3A : memref<!tpu.dma_semaphore, #tpu.memory_space<semaphore_mem>>)
        %dma_wait3A = arith.constant 0 : i32
        %dma_wait3A_71 = tpu.memref_slice %arg4[%add3A_49, %dma_wait3A] : memref<2560x128xi32, #tpu.memory_space<hbm>> -> memref<8x128xi32, #tpu.memory_space<hbm>>
        %dma_wait3A_72 = arith.constant 0 : i32
        %dma_wait3A_73 = tpu.memref_slice %arg4[%add3A_49, %dma_wait3A_72] : memref<2560x128xi32, #tpu.memory_space<hbm>> -> memref<8x128xi32, #tpu.memory_space<hbm>>
        tpu.wait_dma2 semaphore(%run_scoped3A : memref<!tpu.dma_semaphore, #tpu.memory_space<semaphore_mem>>) src(%dma_wait3A_73 : memref<8x128xi32, #tpu.memory_space<hbm>>) dst(%arg9 : memref<8x128xi32, #tpu.memory_space<vmem>>)
        tpu.yield
      }) : () -> ()
      %dma_start3A = arith.constant 0 : i32
      %dma_start3A_50 = arith.constant 0 : i32
      %dma_start3A_51 = tpu.memref_slice %arg8[%dma_start3A, %dma_start3A_50] : memref<8x128xi32, #tpu.memory_space<vmem>> -> memref<1x128xi32, #tpu.memory_space<vmem>>
      %dma_start3A_52 = tpu.memref_squeeze %dma_start3A_51 : memref<1x128xi32, #tpu.memory_space<vmem>> -> memref<128xi32, #tpu.memory_space<vmem>>
      %dma_start3A_53 = arith.constant 0 : i32
      %dma_start3A_54 = arith.constant 0 : i32
      %dma_start3A_55 = tpu.memref_slice %arg2[%dma_start3A_53, %dma_start3A_54] : memref<10000x128xf32, #tpu.memory_space<hbm>> -> memref<10000x128xf32, #tpu.memory_space<hbm>>
      tpu.enqueue_indirect_dma source(%dma_start3A_55 : memref<10000x128xf32, #tpu.memory_space<hbm>>) target(%arg10 : memref<128x128xf32, #tpu.memory_space<vmem>>) offsets(%dma_start3A_52 : memref<128xi32, #tpu.memory_space<vmem>>) semaphore(%arg13 : memref<!tpu.dma_semaphore, #tpu.memory_space<semaphore_mem>>)
      %dma_start3A_56 = arith.constant 1 : i32
      %dma_start3A_57 = arith.constant 0 : i32
      %dma_start3A_58 = tpu.memref_slice %arg8[%dma_start3A_56, %dma_start3A_57] : memref<8x128xi32, #tpu.memory_space<vmem>> -> memref<1x128xi32, #tpu.memory_space<vmem>>
      %dma_start3A_59 = tpu.memref_squeeze %dma_start3A_58 : memref<1x128xi32, #tpu.memory_space<vmem>> -> memref<128xi32, #tpu.memory_space<vmem>>
      %dma_start3A_60 = arith.constant 0 : i32
      %dma_start3A_61 = arith.constant 0 : i32
      %dma_start3A_62 = tpu.memref_slice %arg2[%dma_start3A_60, %dma_start3A_61] : memref<10000x128xf32, #tpu.memory_space<hbm>> -> memref<10000x128xf32, #tpu.memory_space<hbm>>
      tpu.enqueue_indirect_dma source(%dma_start3A_62 : memref<10000x128xf32, #tpu.memory_space<hbm>>) target(%arg11 : memref<128x128xf32, #tpu.memory_space<vmem>>) offsets(%dma_start3A_59 : memref<128xi32, #tpu.memory_space<vmem>>) semaphore(%arg14 : memref<!tpu.dma_semaphore, #tpu.memory_space<semaphore_mem>>)
      %scan3A = arith.constant 0 : i32
      %scan3A_63 = arith.constant 4 : i32
      %scan3A_64 = arith.addi %scan3A, %scan3A_63 : i32
      %scan3A_65 = arith.constant 1 : i32
      scf.for %scan3A_67 = %scan3A to %scan3A_64 step %scan3A_65  : i32 {
        %mul3A_68 = arith.constant 2 : i32
        %mul3A_69 = arith.muli %scan3A_67, %mul3A_68 : i32
        %add3A_70 = arith.constant 0 : i32
        %add3A_71 = arith.addi %mul3A_69, %add3A_70 : i32
        %dma_wait3A = arith.constant 0 : i32
        %dma_wait3A_72 = tpu.memref_slice %arg8[%add3A_71, %dma_wait3A] : memref<8x128xi32, #tpu.memory_space<vmem>> -> memref<1x128xi32, #tpu.memory_space<vmem>>
        %dma_wait3A_73 = tpu.memref_squeeze %dma_wait3A_72 : memref<1x128xi32, #tpu.memory_space<vmem>> -> memref<128xi32, #tpu.memory_space<vmem>>
        %dma_wait3A_74 = arith.constant 0 : i32
        %dma_wait3A_75 = arith.constant 0 : i32
        %dma_wait3A_76 = tpu.memref_slice %arg2[%dma_wait3A_74, %dma_wait3A_75] : memref<10000x128xf32, #tpu.memory_space<hbm>> -> memref<10000x128xf32, #tpu.memory_space<hbm>>
        tpu.wait_indirect_dma semaphore(%arg13 : memref<!tpu.dma_semaphore, #tpu.memory_space<semaphore_mem>>) src(%dma_wait3A_76 : memref<10000x128xf32, #tpu.memory_space<hbm>>) dst(%arg10 : memref<128x128xf32, #tpu.memory_space<vmem>>)
        "tpu.region"() ({
          %run_scoped3A = tpu.sem_alloc : memref<!tpu.dma_semaphore, #tpu.memory_space<semaphore_mem>>
          %dma_start3A_100 = arith.constant 0 : i32
          %dma_start3A_101 = tpu.memref_slice %arg9[%add3A_71, %dma_start3A_100] : memref<8x128xi32, #tpu.memory_space<vmem>> -> memref<1x128xi32, #tpu.memory_space<vmem>>
          %dma_start3A_102 = tpu.memref_squeeze %dma_start3A_101 : memref<1x128xi32, #tpu.memory_space<vmem>> -> memref<128xi32, #tpu.memory_space<vmem>>
          %dma_start3A_103 = arith.constant 0 : i32
          %dma_start3A_104 = arith.constant 0 : i32
          %dma_start3A_105 = tpu.memref_slice %arg12[%dma_start3A_103, %dma_start3A_104] : memref<10112x128xf32, #tpu.memory_space<vmem_shared>> -> memref<10112x128xf32, #tpu.memory_space<vmem_shared>>
          tpu.enqueue_indirect_dma source(%arg10 : memref<128x128xf32, #tpu.memory_space<vmem>>) target(%dma_start3A_105 : memref<10112x128xf32, #tpu.memory_space<vmem_shared>>) offsets(%dma_start3A_102 : memref<128xi32, #tpu.memory_space<vmem>>) semaphore(%run_scoped3A : memref<!tpu.dma_semaphore, #tpu.memory_space<semaphore_mem>>) {add = true}
          %dma_wait3A_106 = arith.constant 0 : i32
          %dma_wait3A_107 = tpu.memref_slice %arg9[%add3A_71, %dma_wait3A_106] : memref<8x128xi32, #tpu.memory_space<vmem>> -> memref<1x128xi32, #tpu.memory_space<vmem>>
          %dma_wait3A_108 = tpu.memref_squeeze %dma_wait3A_107 : memref<1x128xi32, #tpu.memory_space<vmem>> -> memref<128xi32, #tpu.memory_space<vmem>>
          %dma_wait3A_109 = arith.constant 0 : i32
          %dma_wait3A_110 = arith.constant 0 : i32
          %dma_wait3A_111 = tpu.memref_slice %arg12[%dma_wait3A_109, %dma_wait3A_110] : memref<10112x128xf32, #tpu.memory_space<vmem_shared>> -> memref<10112x128xf32, #tpu.memory_space<vmem_shared>>
          tpu.wait_indirect_dma semaphore(%run_scoped3A : memref<!tpu.dma_semaphore, #tpu.memory_space<semaphore_mem>>) src(%arg10 : memref<128x128xf32, #tpu.memory_space<vmem>>) dst(%dma_wait3A_111 : memref<10112x128xf32, #tpu.memory_space<vmem_shared>>)
          tpu.yield
        }) : () -> ()
        %add3A_77 = arith.constant 2 : i32
        %add3A_78 = arith.addi %add3A_71, %add3A_77 : i32
        %lt3A = arith.constant 8 : i32
        %lt3A_79 = arith.cmpi slt, %add3A_78, %lt3A : i32
        %convert_element_type3A_80 = arith.extui %lt3A_79 : i1 to i32
        %cond3A_81 = arith.constant 0 : i32
        %cond3A_82 = arith.cmpi ne, %convert_element_type3A_80, %cond3A_81 : i32
        scf.if %cond3A_82 {
          %add3A_100 = arith.constant 2 : i32
          %add3A_101 = arith.addi %add3A_71, %add3A_100 : i32
          %dma_start3A_102 = arith.constant 0 : i32
          %dma_start3A_103 = tpu.memref_slice %arg8[%add3A_101, %dma_start3A_102] : memref<8x128xi32, #tpu.memory_space<vmem>> -> memref<1x128xi32, #tpu.memory_space<vmem>>
          %dma_start3A_104 = tpu.memref_squeeze %dma_start3A_103 : memref<1x128xi32, #tpu.memory_space<vmem>> -> memref<128xi32, #tpu.memory_space<vmem>>
          %dma_start3A_105 = arith.constant 0 : i32
          %dma_start3A_106 = arith.constant 0 : i32
          %dma_start3A_107 = tpu.memref_slice %arg2[%dma_start3A_105, %dma_start3A_106] : memref<10000x128xf32, #tpu.memory_space<hbm>> -> memref<10000x128xf32, #tpu.memory_space<hbm>>
          tpu.enqueue_indirect_dma source(%dma_start3A_107 : memref<10000x128xf32, #tpu.memory_space<hbm>>) target(%arg10 : memref<128x128xf32, #tpu.memory_space<vmem>>) offsets(%dma_start3A_104 : memref<128xi32, #tpu.memory_space<vmem>>) semaphore(%arg13 : memref<!tpu.dma_semaphore, #tpu.memory_space<semaphore_mem>>)
        } else {
        }
        %mul3A_83 = arith.constant 2 : i32
        %mul3A_84 = arith.muli %scan3A_67, %mul3A_83 : i32
        %add3A_85 = arith.constant 1 : i32
        %add3A_86 = arith.addi %mul3A_84, %add3A_85 : i32
        %dma_wait3A_87 = arith.constant 0 : i32
        %dma_wait3A_88 = tpu.memref_slice %arg8[%add3A_86, %dma_wait3A_87] : memref<8x128xi32, #tpu.memory_space<vmem>> -> memref<1x128xi32, #tpu.memory_space<vmem>>
        %dma_wait3A_89 = tpu.memref_squeeze %dma_wait3A_88 : memref<1x128xi32, #tpu.memory_space<vmem>> -> memref<128xi32, #tpu.memory_space<vmem>>
        %dma_wait3A_90 = arith.constant 0 : i32
        %dma_wait3A_91 = arith.constant 0 : i32
        %dma_wait3A_92 = tpu.memref_slice %arg2[%dma_wait3A_90, %dma_wait3A_91] : memref<10000x128xf32, #tpu.memory_space<hbm>> -> memref<10000x128xf32, #tpu.memory_space<hbm>>
        tpu.wait_indirect_dma semaphore(%arg14 : memref<!tpu.dma_semaphore, #tpu.memory_space<semaphore_mem>>) src(%dma_wait3A_92 : memref<10000x128xf32, #tpu.memory_space<hbm>>) dst(%arg11 : memref<128x128xf32, #tpu.memory_space<vmem>>)
        "tpu.region"() ({
          %run_scoped3A = tpu.sem_alloc : memref<!tpu.dma_semaphore, #tpu.memory_space<semaphore_mem>>
          %dma_start3A_100 = arith.constant 0 : i32
          %dma_start3A_101 = tpu.memref_slice %arg9[%add3A_86, %dma_start3A_100] : memref<8x128xi32, #tpu.memory_space<vmem>> -> memref<1x128xi32, #tpu.memory_space<vmem>>
          %dma_start3A_102 = tpu.memref_squeeze %dma_start3A_101 : memref<1x128xi32, #tpu.memory_space<vmem>> -> memref<128xi32, #tpu.memory_space<vmem>>
          %dma_start3A_103 = arith.constant 0 : i32
          %dma_start3A_104 = arith.constant 0 : i32
          %dma_start3A_105 = tpu.memref_slice %arg12[%dma_start3A_103, %dma_start3A_104] : memref<10112x128xf32, #tpu.memory_space<vmem_shared>> -> memref<10112x128xf32, #tpu.memory_space<vmem_shared>>
          tpu.enqueue_indirect_dma source(%arg11 : memref<128x128xf32, #tpu.memory_space<vmem>>) target(%dma_start3A_105 : memref<10112x128xf32, #tpu.memory_space<vmem_shared>>) offsets(%dma_start3A_102 : memref<128xi32, #tpu.memory_space<vmem>>) semaphore(%run_scoped3A : memref<!tpu.dma_semaphore, #tpu.memory_space<semaphore_mem>>) {add = true}
          %dma_wait3A_106 = arith.constant 0 : i32
          %dma_wait3A_107 = tpu.memref_slice %arg9[%add3A_86, %dma_wait3A_106] : memref<8x128xi32, #tpu.memory_space<vmem>> -> memref<1x128xi32, #tpu.memory_space<vmem>>
          %dma_wait3A_108 = tpu.memref_squeeze %dma_wait3A_107 : memref<1x128xi32, #tpu.memory_space<vmem>> -> memref<128xi32, #tpu.memory_space<vmem>>
          %dma_wait3A_109 = arith.constant 0 : i32
          %dma_wait3A_110 = arith.constant 0 : i32
          %dma_wait3A_111 = tpu.memref_slice %arg12[%dma_wait3A_109, %dma_wait3A_110] : memref<10112x128xf32, #tpu.memory_space<vmem_shared>> -> memref<10112x128xf32, #tpu.memory_space<vmem_shared>>
          tpu.wait_indirect_dma semaphore(%run_scoped3A : memref<!tpu.dma_semaphore, #tpu.memory_space<semaphore_mem>>) src(%arg11 : memref<128x128xf32, #tpu.memory_space<vmem>>) dst(%dma_wait3A_111 : memref<10112x128xf32, #tpu.memory_space<vmem_shared>>)
          tpu.yield
        }) : () -> ()
        %add3A_93 = arith.constant 2 : i32
        %add3A_94 = arith.addi %add3A_86, %add3A_93 : i32
        %lt3A_95 = arith.constant 8 : i32
        %lt3A_96 = arith.cmpi slt, %add3A_94, %lt3A_95 : i32
        %convert_element_type3A_97 = arith.extui %lt3A_96 : i1 to i32
        %cond3A_98 = arith.constant 0 : i32
        %cond3A_99 = arith.cmpi ne, %convert_element_type3A_97, %cond3A_98 : i32
        scf.if %cond3A_99 {
          %add3A_100 = arith.constant 2 : i32
          %add3A_101 = arith.addi %add3A_86, %add3A_100 : i32
          %dma_start3A_102 = arith.constant 0 : i32
          %dma_start3A_103 = tpu.memref_slice %arg8[%add3A_101, %dma_start3A_102] : memref<8x128xi32, #tpu.memory_space<vmem>> -> memref<1x128xi32, #tpu.memory_space<vmem>>
          %dma_start3A_104 = tpu.memref_squeeze %dma_start3A_103 : memref<1x128xi32, #tpu.memory_space<vmem>> -> memref<128xi32, #tpu.memory_space<vmem>>
          %dma_start3A_105 = arith.constant 0 : i32
          %dma_start3A_106 = arith.constant 0 : i32
          %dma_start3A_107 = tpu.memref_slice %arg2[%dma_start3A_105, %dma_start3A_106] : memref<10000x128xf32, #tpu.memory_space<hbm>> -> memref<10000x128xf32, #tpu.memory_space<hbm>>
          tpu.enqueue_indirect_dma source(%dma_start3A_107 : memref<10000x128xf32, #tpu.memory_space<hbm>>) target(%arg11 : memref<128x128xf32, #tpu.memory_space<vmem>>) offsets(%dma_start3A_104 : memref<128xi32, #tpu.memory_space<vmem>>) semaphore(%arg14 : memref<!tpu.dma_semaphore, #tpu.memory_space<semaphore_mem>>)
        } else {
        }
      }
      %scan3A_66 = arith.constant 4 : i32
    }
    %barrier3A_37 = arith.constant 0 : index
    tpu.barrier barrier_id(%barrier3A_37)
    %eq3A_38 = arith.constant 0 : i32
    %eq3A_39 = arith.cmpi eq, %arg0, %eq3A_38 : i32
    %convert_element_type3A = arith.extui %eq3A_39 : i1 to i32
    %cond3A = arith.constant 0 : i32
    %cond3A_40 = arith.cmpi ne, %convert_element_type3A, %cond3A : i32
    scf.if %cond3A_40 {
      "tpu.region"() ({
        %run_scoped3A = tpu.sem_alloc : memref<!tpu.dma_semaphore, #tpu.memory_space<semaphore_mem>>
        %dma_start3A = arith.constant 0 : i32
        %dma_start3A_46 = tpu.memref_slice %arg6[%mul3A_0, %dma_start3A] : memref<10112x128xf32, #tpu.memory_space<hbm>> -> memref<632x128xf32, #tpu.memory_space<hbm>>
        %dma_start3A_47 = arith.constant 0 : i32
        %dma_start3A_48 = tpu.memref_slice %arg12[%mul3A_0, %dma_start3A_47] : memref<10112x128xf32, #tpu.memory_space<vmem_shared>> -> memref<632x128xf32, #tpu.memory_space<vmem_shared>>
        tpu.enqueue_dma source(%dma_start3A_48 : memref<632x128xf32, #tpu.memory_space<vmem_shared>>) target(%dma_start3A_46 : memref<632x128xf32, #tpu.memory_space<hbm>>) target_semaphore(%run_scoped3A : memref<!tpu.dma_semaphore, #tpu.memory_space<semaphore_mem>>)
        %dma_wait3A = arith.constant 0 : i32
        %dma_wait3A_49 = tpu.memref_slice %arg6[%mul3A_0, %dma_wait3A] : memref<10112x128xf32, #tpu.memory_space<hbm>> -> memref<632x128xf32, #tpu.memory_space<hbm>>
        %dma_wait3A_50 = arith.constant 0 : i32
        %dma_wait3A_51 = tpu.memref_slice %arg12[%mul3A_0, %dma_wait3A_50] : memref<10112x128xf32, #tpu.memory_space<vmem_shared>> -> memref<632x128xf32, #tpu.memory_space<vmem_shared>>
        tpu.wait_dma2 semaphore(%run_scoped3A : memref<!tpu.dma_semaphore, #tpu.memory_space<semaphore_mem>>) src(%dma_wait3A_51 : memref<632x128xf32, #tpu.memory_space<vmem_shared>>) dst(%dma_wait3A_49 : memref<632x128xf32, #tpu.memory_space<hbm>>)
        tpu.yield
      }) : () -> ()
    } else {
    }
    %eq3A_41 = arith.constant 1 : i32
    %eq3A_42 = arith.cmpi eq, %arg0, %eq3A_41 : i32
    %convert_element_type3A_43 = arith.extui %eq3A_42 : i1 to i32
    %cond3A_44 = arith.constant 0 : i32
    %cond3A_45 = arith.cmpi ne, %convert_element_type3A_43, %cond3A_44 : i32
    scf.if %cond3A_45 {
      "tpu.region"() ({
        %run_scoped3A = tpu.sem_alloc : memref<!tpu.dma_semaphore, #tpu.memory_space<semaphore_mem>>
        %dma_start3A = arith.constant 0 : i32
        %dma_start3A_46 = tpu.memref_slice %arg7[%mul3A_0, %dma_start3A] : memref<10112x128xf32, #tpu.memory_space<hbm>> -> memref<632x128xf32, #tpu.memory_space<hbm>>
        %dma_start3A_47 = arith.constant 0 : i32
        %dma_start3A_48 = tpu.memref_slice %arg12[%mul3A_0, %dma_start3A_47] : memref<10112x128xf32, #tpu.memory_space<vmem_shared>> -> memref<632x128xf32, #tpu.memory_space<vmem_shared>>
        tpu.enqueue_dma source(%dma_start3A_48 : memref<632x128xf32, #tpu.memory_space<vmem_shared>>) target(%dma_start3A_46 : memref<632x128xf32, #tpu.memory_space<hbm>>) target_semaphore(%run_scoped3A : memref<!tpu.dma_semaphore, #tpu.memory_space<semaphore_mem>>)
        %dma_wait3A = arith.constant 0 : i32
        %dma_wait3A_49 = tpu.memref_slice %arg7[%mul3A_0, %dma_wait3A] : memref<10112x128xf32, #tpu.memory_space<hbm>> -> memref<632x128xf32, #tpu.memory_space<hbm>>
        %dma_wait3A_50 = arith.constant 0 : i32
        %dma_wait3A_51 = tpu.memref_slice %arg12[%mul3A_0, %dma_wait3A_50] : memref<10112x128xf32, #tpu.memory_space<vmem_shared>> -> memref<632x128xf32, #tpu.memory_space<vmem_shared>>
        tpu.wait_dma2 semaphore(%run_scoped3A : memref<!tpu.dma_semaphore, #tpu.memory_space<semaphore_mem>>) src(%dma_wait3A_51 : memref<632x128xf32, #tpu.memory_space<vmem_shared>>) dst(%dma_wait3A_49 : memref<632x128xf32, #tpu.memory_space<hbm>>)
        tpu.yield
      }) : () -> ()
    } else {
    }
    return
  }
}

module attributes {stable_mosaic.version = 14 : i64} {
  func.func @mm(%arg0: i32, %arg1: memref<400x128xf32, #tpu.memory_space<vmem>>, %arg2: memref<400x128xf32, #tpu.memory_space<vmem>>, %arg3: memref<128x128xf32, #tpu.memory_space<vmem>>, %arg4: memref<1x128xf32, #tpu.memory_space<vmem>>, %arg5: memref<400x128xf32, #tpu.memory_space<vmem>>) attributes {dimension_semantics = [#tpu.dimension_semantics<arbitrary>], iteration_bounds = array<i64: 25>, scalar_prefetch = 0 : i64, scratch_operands = 0 : i64, tpu.core_type = #tpu.core_type<tc>, window_params = [{transform_indices = @transform_0, window_bounds = array<i64: 400, 128>}, {transform_indices = @transform_1, window_bounds = array<i64: 400, 128>}, {pipeline_mode = #tpu.pipeline_mode<synchronous>, transform_indices = @transform_2, window_bounds = array<i64: 128, 128>}, {pipeline_mode = #tpu.pipeline_mode<synchronous>, transform_indices = @transform_3, window_bounds = array<i64: 1, 128>}, {transform_indices = @transform_4, window_bounds = array<i64: 400, 128>}]} {
    %get3A = arith.constant 0 : index
    %get3A_0 = arith.constant 0 : index
    %get3A_1 = vector.load %arg1[%get3A, %get3A_0] : memref<400x128xf32, #tpu.memory_space<vmem>>, vector<400x128xf32>
    %get3A_2 = arith.constant 0 : index
    %get3A_3 = arith.constant 0 : index
    %get3A_4 = vector.load %arg2[%get3A_2, %get3A_3] : memref<400x128xf32, #tpu.memory_space<vmem>>, vector<400x128xf32>
    %add3A = arith.addf %get3A_1, %get3A_4 : vector<400x128xf32>
    %get3A_5 = arith.constant 0 : index
    %get3A_6 = arith.constant 0 : index
    %get3A_7 = vector.load %arg3[%get3A_5, %get3A_6] : memref<128x128xf32, #tpu.memory_space<vmem>>, vector<128x128xf32>
    %dot_general3A = arith.constant dense<0.000000e+00> : vector<400x128xf32>
    %dot_general3A_8 = tpu.matmul %add3A, %get3A_7, %dot_general3A {dimension_numbers = #tpu.dot_dimension_numbers<[1], [0], [0], [1], [0, 0, 1, 1], [], []>, transpose_lhs_hint = false} : vector<400x128xf32>, vector<128x128xf32>, vector<400x128xf32> -> vector<400x128xf32>
    %get3A_9 = arith.constant 0 : index
    %get3A_10 = arith.constant 0 : index
    %get3A_11 = vector.load %arg4[%get3A_9, %get3A_10] : memref<1x128xf32, #tpu.memory_space<vmem>>, vector<1x128xf32>
    %add3A_12 = vector.broadcast %get3A_11 : vector<1x128xf32> to vector<400x128xf32>
    %add3A_13 = arith.addf %dot_general3A_8, %add3A_12 : vector<400x128xf32>
    %swap3A = arith.constant 0 : index
    %swap3A_14 = arith.constant 0 : index
    %swap3A_15 = vector.load %arg5[%swap3A, %swap3A_14] : memref<400x128xf32, #tpu.memory_space<vmem>>, vector<400x128xf32>
    tpu.vector_store %arg5[%swap3A, %swap3A_14], %add3A_13 {strides = array<i32>} : memref<400x128xf32, #tpu.memory_space<vmem>>, vector<400x128xf32>,
    return
  }
  func.func @transform_0(%arg0: i32) -> (i32, i32) {
    %c0_i32 = arith.constant 0 : i32
    %c0_i32_0 = arith.constant 0 : i32
    return %arg0, %c0_i32 : i32, i32
  }
  func.func @transform_1(%arg0: i32) -> (i32, i32) {
    %c0_i32 = arith.constant 0 : i32
    %c0_i32_0 = arith.constant 0 : i32
    return %arg0, %c0_i32 : i32, i32
  }
  func.func @transform_2(%arg0: i32) -> (i32, i32) {
    %c0_i32 = arith.constant 0 : i32
    %c0_i32_0 = arith.constant 0 : i32
    %c0_i32_1 = arith.constant 0 : i32
    return %c0_i32, %c0_i32_0 : i32, i32
  }
  func.func @transform_3(%arg0: i32) -> (i32, i32) {
    %c0_i32 = arith.constant 0 : i32
    %c0_i32_0 = arith.constant 0 : i32
    %c0_i32_1 = arith.constant 0 : i32
    return %c0_i32, %c0_i32_0 : i32, i32
  }
  func.func @transform_4(%arg0: i32) -> (i32, i32) {
    %c0_i32 = arith.constant 0 : i32
    %c0_i32_0 = arith.constant 0 : i32
    return %arg0, %c0_i32 : i32, i32
  }
}

</mosaic_0001>

<sc_bundles>
// kernel: kernel.4.cloned.1.call-start
scs
__scs_entry_jumppad:
0x0: {  	(pc) =	sbr.rel $0x88, $3  }
0x1: {  	(tag) =	ssettag $0x0;
	lr =	simm.s32 $0x1  }
0x2: {  	[smem:$0x3F9D] =	sst lr;
	_ =	strace $0xD0000000  }
0x3: {  	_ = 	snop  }
0x4: {  	_ = 	snop  }
0x5: {  	_ = 	snop  }
0x6: {  	_ = 	snop  }
0x7: {  	_ = 	snop  }
__scs_overlays_trampoline_lowered:
0x8: {  	[smem:$0x3FAC] =	sst s0  }
0x9: {  	[smem:$0x3FAD] =	sst s1  }
0xa: {  	[smem:$0x3FAE] =	sst s2  }
0xb: {  	[smem:$0x3FAF] =	sst s3  }
0xc: {  	[smem:$0x3FB0] =	sst s4  }
0xd: {  	[smem:$0x3FB1] =	sst s5  }
0xe: {  	[smem:$0x3FB2] =	sst s6  }
0xf: {  	[smem:$0x3FB3] =	sst s7  }
0x10: {  	[smem:$0x3FB4] =	sst s8  }
0x11: {  	[smem:$0x3FB5] =	sst s9;
	s0 =	simm.s32 @!p0 $0x0  }
0x12: {  	s1 =	sld [smem:$0x3F9B];
	s0 =	simm.s32 @p0 $0x1  }
0x13: {  	[smem:$0x3FB6] =	sst s0;
	s0 =	simm.s32 @!p1 $0x0  }
0x14: {  	s2 =	sld [smem:$0x3F9A];
	s0 =	simm.s32 @p1 $0x1  }
0x15: {  	[smem:$0x3FB7] =	sst s0;
	s0 =	simm.s32 @!p2 $0x0  }
0x16: {  	s3 =	sld [smem:$0x3FDB];
	s0 =	simm.s32 @p2 $0x1  }
0x17: {  	s4 =	simm.s32 $0x1BF5;
	[smem:$0x3FB9] =	sst s0  }
0x18: {  	s0 =	sld [smem:$0x3F9C];
	_ =	swait.ge [sflag:s4], $0x0  }
0x19: {  	s7 =	sld [smem:$0x3F9D]  }
0x1a: {  	s8 =	sadd.s32 $0xFFFFE003, lr  }
0x1b: {  	s9 =	sadd.s32 $0xFFFFFEF7, lr;
	s5 =	simm.s32 $0xFFFFFFFF;
	p2 =	slt.u32 s8, $0xFFFFF086  }
0x1c: {  	p1 =	slt.u32 s9, $0xF7A;
	s5 =	simm.s32 @!p2 $0x0  }
0x1d: {  	s5 =	simm.s32 @p1 $0x1;
	p0 =	seq.s32 s7, s2  }
0x1e: {  	s7 =	smul.u32 @!p0 $0xF7A, s2;
	p2 =	seq.s32 @!p0 s5, $0x0  }
0x1f: {  	s9 =	smul.u32 $0xF7A, s1;
	s8 =	simm.s32 @!p0 $0x1BF5;
	p2 =	por !p2, p0  }
0x20: {  	[sflag:s8] =	ssyncset.s32 @!p0 $0xFFFFF086;
	s6 =	sadd.s32 @!p0 s3, s7;
	s7 =	simm.s32 @!p0 $0x108  }
0x21: {  	s3 =	sadd.s32 s3, s9;
	s6 =	sadd.s32 @!p0 $0x88, s6;
	s7 =	simm.s32 @p2 $0x1082  }
0x22: {  	[simem:s7], [sflag:s8] =	dma.local @!p0 [hbm:s6], $0xF7A  }
0x23: {  	s9 =	sor.u32 $0xD0000000, s2;
	s6 =	simm.s32 $0x108;
	_ =	swait.ge @!p0 [sflag:s8], $0x0  }
0x24: {  	s3 =	sadd.s32 $0x88, s3;
	s6 =	simm.s32 @!p1 $0x1082;
	[sflag:s4] =	ssyncset.s32 $0xFFFFF086  }
0x25: {  	[simem:s6], [sflag:s4] =	dma.local [hbm:s3], $0xF7A  }
0x26: {  	[smem:$0x3F9D] =	sst s1;
	(tag) =	ssettag s2;
	_ =	strace s9  }
0x27: {  	s1 =	sld [smem:$0x3FAD]  }
0x28: {  	s2 =	sld [smem:$0x3FAE]  }
0x29: {  	s4 =	sld [smem:$0x3FB0]  }
0x2a: {  	p0 =	seq.s32 s5, $0x0;
	s5 =	sld [smem:$0x3FB1]  }
0x2b: {  	s6 =	sld [smem:$0x3FB2]  }
0x2c: {  	s7 =	sld [smem:$0x3FB3]  }
0x2d: {  	s3 =	simm.s32 $0x108;
	s8 =	sld [smem:$0x3FB4]  }
0x2e: {  	s3 =	simm.s32 @!p0 $0x1082;
	s9 =	sld [smem:$0x3FB5]  }
0x2f: {  	lr =	sadd.s32 s0, s3;
	s0 =	sld [smem:$0x3FAC]  }
0x30: {  	s3 =	sld [smem:$0x3FAF]  }
0x31: {  	[smem:$0x3FB8] =	sst s10  }
0x32: {  	s10 =	sld [smem:$0x3FB6];
	_ =	sdelay $0x3  }
0x33: {  	p0 =	seq.s32 s10, $0x1;
	s10 =	sld [smem:$0x3FB8];
	_ =	sdelay $0x3  }
0x34: {  	[smem:$0x3FB8] =	sst s10  }
0x35: {  	s10 =	sld [smem:$0x3FB7];
	_ =	sdelay $0x3  }
0x36: {  	p1 =	seq.s32 s10, $0x1;
	s10 =	sld [smem:$0x3FB8];
	_ =	sdelay $0x3  }
0x37: {  	[smem:$0x3FB8] =	sst s10  }
0x38: {  	s10 =	sld [smem:$0x3FB9]  }
0x39: {  	_ = 	snop;
	(pc) =	sbr.ind lr, $3  }
0x3a: {  	_ = 	snop  }
0x3b: {  	_ = 	snop  }
0x3c: {  	p2 =	seq.s32 s10, $0x1;
	s10 =	sld [smem:$0x3FB8]  }
0x3d: {  	_ =	shalt  }
0x3e: {  	_ =	shalt  }
0x3f: {  	_ =	shalt  }
0x40: {  	_ =	shalt  }
0x41: {  	_ =	shalt  }
0x42: {  	_ =	shalt  }
0x43: {  	_ =	shalt  }
0x44: {  	_ =	shalt  }
0x45: {  	_ =	shalt  }
0x46: {  	_ =	shalt  }
0x47: {  	_ =	shalt  }
0x48: {  	_ =	shalt  }
0x49: {  	_ =	shalt  }
0x4a: {  	_ =	shalt  }
0x4b: {  	_ =	shalt  }
0x4c: {  	_ =	shalt  }
0x4d: {  	_ =	shalt  }
0x4e: {  	_ =	shalt  }
0x4f: {  	_ =	shalt  }
0x50: {  	_ =	shalt  }
0x51: {  	_ =	shalt  }
0x52: {  	_ =	shalt  }
0x53: {  	_ =	shalt  }
0x54: {  	_ =	shalt  }
0x55: {  	_ =	shalt  }
0x56: {  	_ =	shalt  }
0x57: {  	_ =	shalt  }
0x58: {  	_ =	shalt  }
0x59: {  	_ =	shalt  }
0x5a: {  	_ =	shalt  }
0x5b: {  	_ =	shalt  }
0x5c: {  	_ =	shalt  }
0x5d: {  	_ =	shalt  }
0x5e: {  	_ =	shalt  }
0x5f: {  	_ =	shalt  }
0x60: {  	_ =	shalt  }
0x61: {  	_ =	shalt  }
0x62: {  	_ =	shalt  }
0x63: {  	_ =	shalt  }
0x64: {  	_ =	shalt  }
0x65: {  	_ =	shalt  }
0x66: {  	_ =	shalt  }
0x67: {  	_ =	shalt  }
0x68: {  	_ =	shalt  }
0x69: {  	_ =	shalt  }
0x6a: {  	_ =	shalt  }
0x6b: {  	_ =	shalt  }
0x6c: {  	_ =	shalt  }
0x6d: {  	_ =	shalt  }
0x6e: {  	_ =	shalt  }
0x6f: {  	_ =	shalt  }
0x70: {  	_ =	shalt  }
0x71: {  	_ =	shalt  }
0x72: {  	_ =	shalt  }
0x73: {  	_ =	shalt  }
0x74: {  	_ =	shalt  }
0x75: {  	_ =	shalt  }
0x76: {  	_ =	shalt  }
0x77: {  	_ =	shalt  }
0x78: {  	_ =	shalt  }
0x79: {  	_ =	shalt  }
0x7a: {  	_ =	shalt  }
0x7b: {  	_ =	shalt  }
0x7c: {  	_ =	shalt  }
0x7d: {  	_ =	shalt  }
0x7e: {  	_ =	shalt  }
0x7f: {  	_ =	shalt  }
0x80: {  	_ =	shalt  }
0x81: {  	_ =	shalt  }
0x82: {  	_ =	shalt  }
0x83: {  	_ =	shalt  }
0x84: {  	_ =	shalt  }
0x85: {  	_ =	shalt  }
0x86: {  	_ =	shalt  }
0x87: {  	_ =	shalt  }
.Lfunc_end0:
.L_simem_size_0:
called_computation_lowered:
.L_overlay_start_0:
0x88: {  	s2 =	sld [smem:$0x3FD9]  }
0x89: {  	s3 =	sld [smem:$0x3FFE];
	_ =	sdelay $0x1  }
0x8a: {  	s1 =	srdreg.scid  }
0x8b: {  	s0 =	sand.u32 $0x1, s1  }
0x8c: {  	s17 =	sshll.u32 s0, $0xA;
	s2 =	sadd.s32 s3, s2  }
0x8d: {  	s2 =	sadd.s32 s2, s17  }
0x8e: {  	[smem:$0x3FC4] =	sst s2  }
0x8f: {  	_ = 	snop  }
0x90: {  	s2 =	sld [smem:$0x3FC9]  }
0x91: {  	s18 =	sld [smem:$0x3FD0];
	(tm) =	ssettm $0x1  }
0x92: {  	s4 =	sld [smem:$0x3FFB];
	_ =	sdelay $0x3  }
0x93: {  	_ =	strace s4  }
0x94: {  	s4 =	sld [smem:$0x3FFC];
	_ =	sdelay $0x3  }
0x95: {  	_ =	strace s4  }
0x96: {  	s4 =	sld [smem:$0x3FFD];
	_ =	sdelay $0x3  }
0x97: {  	_ =	strace s4  }
0x98: {  	_ =	strace $0x8FFFFFFF  }
0x99: {  	s19 =	sld [smem:$0x3FDB];
	_ =	sdelay $0x1  }
0x9a: {  	s5 =	simm.s32 $_scs_section_size  }
0x9b: {  	s6 =	simm.s32 $_size__tile_overlayer_lowered;
	s7 =	simm.s32 $_tile_overlayer_lowered  }
0x9c: {  	s22 =	simm.s32 $0x1BFF;
	s21 =	sshll.u32 s7, $0x1;
	s4 =	sadd.s32 s5, s19  }
0x9d: {  	s8 =	simm.s32 $0x0;
	s20 =	sshll.u32 s6, $0x1;
	s6 =	sadd.s32 s21, s4  }
0x9e: {  	[timem:s8], [sflag:s22] =	dma.local [hbm:s6], s20  }
0x9f: {  	_ =	swait.ge [sflag:s22], s20  }
0xa0: {  	s5 =	ssub.s32 $0x0, s20;
	[sflag:s22] =	ssyncset.done $0x0  }
0xa1: {  	[sflag:s22] =	ssyncadd.s32 s5;
	_ =	sdelay $0x1  }
0xa2: {  	s23 =	simm.s32 $0x1B8B  }
0xa3: {  	_ =	swait.ge [sflag:s23], $0x1  }
0xa4: {  	[sflag:s23] =	ssyncset.done $0x0  }
0xa5: {  	s25 =	simm.s32 $0x1B8E;
	s24 =	sld [smem:$0x3FFE];
	[sflag:s23] =	ssyncadd.s32 $0xFFFFFFFF  }
0xa6: {  	s26 =	simm.s32 $execute0_lowered;
	[smem:$0x3FD2] =	sst s25  }
0xa7: {  	s6 =	sshll.u32 s26, $0x1;
	_ =	strace $0x80000046;
	[dreg:$0x1] =	wrdreg $0xFFFFFFFF  }
0xa8: {  	s28 =	simm.s32 $_size_execute0_lowered;
	s4 =	sadd.s32 s4, s6;
	[dreg:$0x0] =	wrdreg $0x0  }
0xa9: {  	s6 =	sshll.u32 s28, $0x1;
	[dreg:$0x2] =	wrdreg s4  }
0xaa: {  	[dreg:$0x3] =	wrdreg s6  }
0xab: {  	[dreg:$0x4] =	wrdreg $0xC0  }
0xac: {  	_ =	task [dreg:s8], $0x5FFFF  }
0xad: {  	[dreg:$0x1] =	wrdreg $0xFFFFFFFF  }
0xae: {  	[dreg:$0x0] =	wrdreg $0x60  }
0xaf: {  	[dreg:$0x2] =	wrdreg s2  }
0xb0: {  	[dreg:$0x3] =	wrdreg s24  }
0xb1: {  	[dreg:$0x4] =	wrdreg s18  }
0xb2: {  	[dreg:$0x5] =	wrdreg $0x88000  }
0xb3: {  	[dreg:$0x6] =	wrdreg $0x9  }
0xb4: {  	_ =	task.clear_ibuf [dreg:s8], $0x7FFFF;
	_ =	strace $0x90000046  }
0xb5: {  	s29 =	simm.s32 $0x9;
	_ =	strace $0x80000048  }
0xb6: {  	_ =	swait.ge [sflag:s29], $0x1  }
0xb7: {  	[sflag:s29] =	ssyncadd.s32 $0xFFFFFFFF  }
0xb8: {  	_ =	strace $0x90000048  }
0xb9: {  	_ =	sfence  }
0xba: {  	s30 =	sld [smem:$0x0];
	_ =	sdelay $0x2  }
0xbb: {  	s31 =	sshll.u32 s1, $0xD;
	s1 =	sshrl.u32 s1, $0x2  }
0xbc: {  	s3 =	sand.u32 $0x4000, s31;
	s1 =	sadd.s32 s1, s30  }
0xbd: {  	s0 =	sor.u32 s3, s0;
	s1 =	sshll.u32 s1, $0x11  }
0xbe: {  	s0 =	sor.u32 s1, s0  }
0xbf: {  	s0 =	sadd.s32 $0x8F2B, s0  }
0xc0: {  	[sflag:s0] =	ssyncadd.remote.s32 $0x1  }
0xc1: {  	_ =	sfence.sel $0xFFFF  }
0xc2: {  	[dreg:$0x0] =	wrdreg $0xFFFFFFFF;
	(pc) =	sbr.abs _section_cstart, $3  }
0xc3: {  	[dreg:$0x1] =	wrdreg $0xFFFFFFFF  }
0xc4: {  	_ =	task.clear_ibuf [dreg:s8], $0x2FFFF;
	_ =	strace $0x9FFFFFFF  }
0xc5: {  	(tm) =	ssettm $0x7FFFFFFF  }
tec
execute0_lowered:
.L_overlay_start_1:
0x0: {  	(tag) =	ssettag $0x1  }
0x1: {  	s1 =	rddreg [dreg:$0x0]  }
0x2: {  	s0 =	rddreg [dreg:$0x1]  }
0x3: {  	s2 =	rddreg [dreg:$0x2];
	s3 =	srdreg.scid  }
0x4: {  	s14 =	stileid.u32;
	s15 =	simm.s32 $0x800;
	s16 =	simm.s32 $0x4800  }
0x5: {  	s17 =	simm.s32 $0x1;
	s18 =	simm.s32 $0x100;
	s19 =	simm.s32 $0x2  }
0x6: {  	s20 =	simm.s32 $0x480;
	s21 =	simm.s32 $0x180;
	s22 =	simm.s32 $0x500  }
0x7: {  	s28 =	simm.s32 $0x300;
	s29 =	simm.s32 $0x680;
	s30 =	simm.s32 $0x380  }
0x8: {  	s31 =	simm.s32 $0x700;
	s8 =	sand.u32 $0x1, s3;
	s5 =	smul.u32 $0x98, s14  }
0x9: {  	s4 =	sshll.u32 s14, $0x3;
	s3 =	rddreg [dreg:$0x3];
	s7 =	smul.u32 $0x2780, s14  }
0xa: {  	s23 =	smul.u32 $0x4F000, s14;
	s11 =	sadd.s32 $0x32200, s0;
	s25 =	sshll.u32 s14, $0x6  }
0xb: {  	s14 =	simm.s32 $0x80;
	p0 =	seq.s32 s8, $0x0;
	s6 =	sor.u32 $0x980, s4  }
0xc: {  	s4 =	simm.s32 $0x0;
	s12 =	ssub.s32 $0x2, s8;
	s6 =	smov.u32 @p0 s5  }
0xd: {  	[smem:$0x7FF] =	sst s4;
	s10 =	sadd.s32 s7, s0;
	s13 =	sshrl.u32 s12, $0x1  }
0xe: {  	s5 =	sshll.u32 s6, $0x4;
	_ =	strace $0x80000047;
	s6 =	sshrl.u32 s23, $0x2  }
0xf: {  	s12 =	ssub.s32 s12, s13;
	s10 =	sadd.s32 $0xAA00, s10;
	s13 =	simm.s32 $0x400  }
0x10: {  	s23 =	simm.s32 $0x200;
	s9 =	sadd.s32 s5, s0;
	s0 =	sadd.s32 $0x59A00, s0  }
0x11: {  	s24 =	sadd.s32 s6, s3;
	[dreg:$0x5] =	wrdreg s10;
	s6 =	sor.u32 $0x1C03, s25  }
0x12: {  	s26 =	smax.u32 s12, $0x1;
	s12 =	simm.s32 $0x3;
	s25 =	simm.s32 $0x280  }
0x13: {  	s0 =	smov.u32 @p0 s11;
	[dreg:$0x6] =	wrdreg s26;
	s11 =	sshrl.u32 s24, $0x3  }
0x14: {  	p0 =	sne.s32 s8, $0x0;
	s24 =	simm.s32 $0x580;
	s26 =	simm.s32 $0x600  }
0x15: {  	s0 =	sadd.s32 s0, s7;
	s7 =	sadd.s32 s5, s2;
	s5 =	sadd.s32 $0xA00, s9  }
0x16: {  	s2 =	simm.s32 $0x780;
	[dreg:$0x7] =	wrdreg s0;
	s0 =	simm.s32 $0x0  }
.LBB2_1:
0x17: {  	s8 =	rddreg [dreg:$0x5]  }
0x18: {  	[spmem:s11], [sflag:s6] =	dma.local [hbm:s8], $0x2780  }
0x19: {  	_ =	swait.ge [sflag:s12], $0x2780  }
0x1a: {  	[sflag:s12] =	ssyncset.done $0x0  }
0x1b: {  	s10 =	smov.u32 s5;
	[sflag:s12] =	ssyncadd.s32 $0xFFFFD880  }
0x1c: {  	s9 =	smov.u32 s7;
	s8 =	simm.s32 $0x0;
	[bflag:$0x0] =	sbarrier.arrive $0xFFFF  }
.LBB2_2:
0x1d: {  	[tilespmem:s4], [sflag:$0x3] =	stream.linear.gather [hbm4b:s10+s4], $0x400, $0x38;
	[tilespmem:$0x1C400] =	vst v63  }
0x1e: {  	_ =	swait.ge [sflag:s12], $0x400  }
0x1f: {  	[sflag:s12] =	ssyncset.done $0x0  }
0x20: {  	[sflag:s12] =	ssyncadd.s32 $0xFFFFFC00  }
0x21: {  	[tilespmem:s13], [sflag:$0x3] =	stream.linear.gather [hbm4b:s9+s4], $0x400, $0x38;
	[tilespmem:$0x1C400] =	vst v63  }
0x22: {  	_ =	swait.ge [sflag:s12], $0x400  }
0x23: {  	[sflag:s12] =	ssyncset.done $0x0  }
0x24: {  	[sflag:s12] =	ssyncadd.s32 $0xFFFFFC00  }
0x25: {  	[tilespmem:s15], [sflag:$0x1] =	stream.indirect.gather [hbm4b:s1+s14], $0x80, s4, s14, $0xb8;
	[tilespmem:$0x1C400] =	vst v63  }
0x26: {  	_ = 	snop  }
0x27: {  	[tilespmem:s16], [sflag:$0x2] =	stream.indirect.gather [hbm4b:s1+s14], $0x80, s14, s14, $0xb8;
	[tilespmem:$0x1C400] =	vst v63  }
0x28: {  	_ =	swait.ge [sflag:s17], $0x4000  }
0x29: {  	[sflag:s17] =	ssyncset.done $0x0  }
0x2a: {  	[sflag:s17] =	ssyncadd.s32 $0xFFFFC000  }
0x2b: {  	[spmem:s3] =	stream.indirect.scatter.add.f32 [tilespmem:s15], [sflag:$0x3], $0x80, s13, s14, $0xb8;
	[tilespmem:$0x1C400] =	vst v63  }
0x2c: {  	_ =	swait.ge [sflag:s12], $0x4000  }
0x2d: {  	[sflag:s12] =	ssyncset.done $0x0  }
0x2e: {  	[sflag:s12] =	ssyncadd.s32 $0xFFFFC000  }
0x2f: {  	[tilespmem:s15], [sflag:$0x1] =	stream.indirect.gather [hbm4b:s1+s14], $0x80, s18, s14, $0xb8;
	[tilespmem:$0x1C400] =	vst v63  }
0x30: {  	_ =	swait.ge [sflag:s19], $0x4000  }
0x31: {  	[sflag:s19] =	ssyncset.done $0x0  }
0x32: {  	[sflag:s19] =	ssyncadd.s32 $0xFFFFC000  }
0x33: {  	[spmem:s3] =	stream.indirect.scatter.add.f32 [tilespmem:s16], [sflag:$0x3], $0x80, s20, s14, $0xb8;
	[tilespmem:$0x1C400] =	vst v63  }
0x34: {  	_ =	swait.ge [sflag:s12], $0x4000  }
0x35: {  	[sflag:s12] =	ssyncset.done $0x0  }
0x36: {  	[sflag:s12] =	ssyncadd.s32 $0xFFFFC000  }
0x37: {  	[tilespmem:s16], [sflag:$0x2] =	stream.indirect.gather [hbm4b:s1+s14], $0x80, s21, s14, $0xb8;
	[tilespmem:$0x1C400] =	vst v63  }
0x38: {  	_ =	swait.ge [sflag:s17], $0x4000  }
0x39: {  	[sflag:s17] =	ssyncset.done $0x0  }
0x3a: {  	[sflag:s17] =	ssyncadd.s32 $0xFFFFC000  }
0x3b: {  	[spmem:s3] =	stream.indirect.scatter.add.f32 [tilespmem:s15], [sflag:$0x3], $0x80, s22, s14, $0xb8;
	[tilespmem:$0x1C400] =	vst v63  }
0x3c: {  	_ =	swait.ge [sflag:s12], $0x4000  }
0x3d: {  	[sflag:s12] =	ssyncset.done $0x0  }
0x3e: {  	[sflag:s12] =	ssyncadd.s32 $0xFFFFC000  }
0x3f: {  	[tilespmem:s15], [sflag:$0x1] =	stream.indirect.gather [hbm4b:s1+s14], $0x80, s23, s14, $0xb8;
	[tilespmem:$0x1C400] =	vst v63  }
0x40: {  	_ =	swait.ge [sflag:s19], $0x4000  }
0x41: {  	[sflag:s19] =	ssyncset.done $0x0  }
0x42: {  	[sflag:s19] =	ssyncadd.s32 $0xFFFFC000  }
0x43: {  	[spmem:s3] =	stream.indirect.scatter.add.f32 [tilespmem:s16], [sflag:$0x3], $0x80, s24, s14, $0xb8;
	[tilespmem:$0x1C400] =	vst v63  }
0x44: {  	_ =	swait.ge [sflag:s12], $0x4000  }
0x45: {  	[sflag:s12] =	ssyncset.done $0x0  }
0x46: {  	[sflag:s12] =	ssyncadd.s32 $0xFFFFC000  }
0x47: {  	[tilespmem:s16], [sflag:$0x2] =	stream.indirect.gather [hbm4b:s1+s14], $0x80, s25, s14, $0xb8;
	[tilespmem:$0x1C400] =	vst v63  }
0x48: {  	_ =	swait.ge [sflag:s17], $0x4000  }
0x49: {  	[sflag:s17] =	ssyncset.done $0x0  }
0x4a: {  	[sflag:s17] =	ssyncadd.s32 $0xFFFFC000  }
0x4b: {  	[spmem:s3] =	stream.indirect.scatter.add.f32 [tilespmem:s15], [sflag:$0x3], $0x80, s26, s14, $0xb8;
	[tilespmem:$0x1C400] =	vst v63  }
0x4c: {  	_ =	swait.ge [sflag:s12], $0x4000  }
0x4d: {  	[sflag:s12] =	ssyncset.done $0x0  }
0x4e: {  	[sflag:s12] =	ssyncadd.s32 $0xFFFFC000  }
0x4f: {  	[tilespmem:s15], [sflag:$0x1] =	stream.indirect.gather [hbm4b:s1+s14], $0x80, s28, s14, $0xb8;
	[tilespmem:$0x1C400] =	vst v63  }
0x50: {  	_ =	swait.ge [sflag:s19], $0x4000  }
0x51: {  	[sflag:s19] =	ssyncset.done $0x0  }
0x52: {  	[sflag:s19] =	ssyncadd.s32 $0xFFFFC000  }
0x53: {  	[spmem:s3] =	stream.indirect.scatter.add.f32 [tilespmem:s16], [sflag:$0x3], $0x80, s29, s14, $0xb8;
	[tilespmem:$0x1C400] =	vst v63  }
0x54: {  	_ =	swait.ge [sflag:s12], $0x4000  }
0x55: {  	[sflag:s12] =	ssyncset.done $0x0  }
0x56: {  	[sflag:s12] =	ssyncadd.s32 $0xFFFFC000  }
0x57: {  	[tilespmem:s16], [sflag:$0x2] =	stream.indirect.gather [hbm4b:s1+s14], $0x80, s30, s14, $0xb8;
	[tilespmem:$0x1C400] =	vst v63  }
0x58: {  	_ =	swait.ge [sflag:s17], $0x4000  }
0x59: {  	[sflag:s17] =	ssyncset.done $0x0  }
0x5a: {  	[sflag:s17] =	ssyncadd.s32 $0xFFFFC000  }
0x5b: {  	[spmem:s3] =	stream.indirect.scatter.add.f32 [tilespmem:s15], [sflag:$0x3], $0x80, s31, s14, $0xb8;
	[tilespmem:$0x1C400] =	vst v63  }
0x5c: {  	_ =	swait.ge [sflag:s12], $0x4000  }
0x5d: {  	[sflag:s12] =	ssyncset.done $0x0  }
0x5e: {  	[sflag:s12] =	ssyncadd.s32 $0xFFFFC000  }
0x5f: {  	p1 =	slt.u32 @!p0 s8, $0x12;
	_ =	swait.ge [sflag:s19], $0x4000  }
0x60: {  	p1 =	por p0, !p1;
	[sflag:s19] =	ssyncset.done $0x0  }
.Ltmp0:
0x61: {  	[sflag:s19] =	ssyncadd.s32 $0xFFFFC000;
	(pc) =	sbr.rel @!p1 .LBB2_2-.Ltmp0, $4  }
0x62: {  	[spmem:s3] =	stream.indirect.scatter.add.f32 [tilespmem:s16], [sflag:$0x3], $0x80, s2, s14, $0xb8;
	[tilespmem:$0x1C400] =	vst v63  }
0x63: {  	_ =	swait.ge [sflag:s12], $0x4000  }
0x64: {  	s8 =	sadd.s32 $0x1, s8;
	[sflag:s12] =	ssyncset.done $0x0  }
0x65: {  	s10 =	sadd.s32 $0x80, s10;
	s9 =	sadd.s32 $0x80, s9;
	[sflag:s12] =	ssyncadd.s32 $0xFFFFC000  }
0x66: {  	[bflag:$0x0] =	sbarrier.arrive $0xFFFF  }
0x67: {  	s8 =	rddreg [dreg:$0x7]  }
0x68: {  	[hbm:s8], [sflag:s6] =	dma.local [spmem:s11], $0x2780  }
0x69: {  	_ =	swait.ge [sflag:s12], $0x2780  }
0x6a: {  	s0 =	sadd.s32 $0x1, s0;
	s10 =	rddreg [dreg:$0x6]  }
0x6b: {  	p1 =	sne.s32 s0, s10  }
.Ltmp1:
0x6c: {  	_ = 	snop;
	(pc) =	sbr.rel @p1 .LBB2_1-.Ltmp1, $3  }
0x6d: {  	_ =	sdelay $0x1  }
0x6e: {  	[sflag:s12] =	ssyncset.done $0x0  }
0x6f: {  	[sflag:s12] =	ssyncadd.s32 $0xFFFFD880  }
0x70: {  	_ =	sfence.sel $0x180000  }
0x71: {  	[bflag:$0x0] =	sbarrier.arrive $0xFFFF  }
0x72: {  	_ =	strace $0x90000047  }
0x73: {  	s0 =	stileid.u32;
	[bflag:$0x2] =	sbarrier.arrive $0xFFFF  }
0x74: {  	p0 =	sne.s32 s0, $0x0;
	s0 =	rddreg [dreg:$0x4]  }
0x75: {  	s0 =	sadd.s32 @!p0 $0x100000, s0  }
0x76: {  	[sflag:s0] =	ssyncadd.tile.s32 @!p0 $0x1;
	_ =	shalt  }
.Lfunc_end2:
_tile_overlayer_lowered:
.L_overlay_start_2:
0x77: {  	(tag) =	ssettag $0x2  }
0x78: {  	s0 =	rddreg [dreg:$0x0];
	s2 =	stileid.u32  }
0x79: {  	s1 =	rddreg [dreg:$0x1];
	p0 =	sne.s32 s2, $0x0  }
0x7a: {  	s3 =	rddreg [dreg:$0x2];
	[bflag:$0x3] =	sbarrier.arrive $0xFFFF;
	s2 =	simm.s32 @!p0 $0x1C03  }
0x7b: {  	[timem:s3], [sflag:s2] =	dma.local @!p0 [hbm:s0], s1  }
0x7c: {  	s0 =	simm.s32 @!p0 $0x3  }
0x7d: {  	_ =	swait.ge @!p0 [sflag:s0], s1  }
0x7e: {  	s1 =	ssub.s32 @!p0 $0x0, s1;
	[sflag:s0] =	ssyncset.done @!p0 $0x0  }
0x7f: {  	[sflag:s0] =	ssyncadd.s32 @!p0 s1  }
0x80: {  	[bflag:$0x3] =	sbarrier.arrive $0xFFFF  }
0x81: {  	_ =	shalt  }

</sc_bundles>
